<compile_context>
chip_gen: v7x
topology: tpu7x:2x2x1
jax: 0.10.2.dev20260603
libtpu: 0.0.44.dev20260713+nightly
codegen_flags: <defaults>
</compile_context>

<pallas_src>
import functools

import jax
import jax.numpy as jnp
from jax import lax
from jax.experimental import pallas as pl
from jax.experimental.pallas import tpu as pltpu
from jax.experimental.pallas import tpu_sc as plsc

_EMB_DIM = 32
_E = 16384
_INFO = plsc.get_sparse_core_info()
_NC = _INFO.num_cores
_NS = _INFO.num_subcores
_NW = _NC * _NS
_EPW = _E // _NW
_CHUNK = 128
_NCHUNK = _EPW // _CHUNK


def _sc_body(h_idx_hbm, t_idx_hbm, r_idx_hbm, node_hbm, rel_hbm, out_hbm,
             vh_idx, vt_idx, vr_idx, vh, vt, vr, vacc, sem):
    c = lax.axis_index("c")
    s = lax.axis_index("s")
    wid = s * _NC + c
    base = wid * _NCHUNK

    pltpu.sync_copy(h_idx_hbm.at[pl.ds(base, _NCHUNK)], vh_idx)
    pltpu.sync_copy(t_idx_hbm.at[pl.ds(base, _NCHUNK)], vt_idx)
    pltpu.sync_copy(r_idx_hbm.at[pl.ds(base, _NCHUNK)], vr_idx)

    copies = []
    for j in range(_NCHUNK):
        dst = pl.ds(j * _CHUNK, _CHUNK)
        copies.append(pltpu.async_copy(node_hbm.at[vh_idx.at[j]], vh.at[dst], sem))
        copies.append(pltpu.async_copy(node_hbm.at[vt_idx.at[j]], vt.at[dst], sem))
        copies.append(pltpu.async_copy(rel_hbm.at[vr_idx.at[j]], vr.at[dst], sem))
    for cp in copies:
        cp.wait()

    def step(i, accs):
        a0, a1 = accs
        d0 = vh[i, pl.ds(0, 16)] + vr[i, pl.ds(0, 16)] - vt[i, pl.ds(0, 16)]
        d1 = vh[i, pl.ds(16, 16)] + vr[i, pl.ds(16, 16)] - vt[i, pl.ds(16, 16)]
        return (a0 + d0 * d0, a1 + d1 * d1)

    zero = jnp.zeros((16,), jnp.float32)
    a0, a1 = lax.fori_loop(0, _EPW, step, (zero, zero))
    vacc[...] = a0 + a1
    pltpu.sync_copy(vacc, out_hbm.at[wid])


_sc_call = functools.partial(
    pl.kernel,
    out_type=jax.ShapeDtypeStruct((_NW, 16), jnp.float32),
    mesh=plsc.VectorSubcoreMesh(core_axis_name="c", subcore_axis_name="s"),
    compiler_params=pltpu.CompilerParams(use_tc_tiling_on_sc=False),
    scratch_types=[
        pltpu.VMEM((_NCHUNK, _CHUNK), jnp.int32),
        pltpu.VMEM((_NCHUNK, _CHUNK), jnp.int32),
        pltpu.VMEM((_NCHUNK, _CHUNK), jnp.int32),
        pltpu.VMEM((_EPW, _EMB_DIM), jnp.float32),
        pltpu.VMEM((_EPW, _EMB_DIM), jnp.float32),
        pltpu.VMEM((_EPW, _EMB_DIM), jnp.float32),
        pltpu.VMEM((16,), jnp.float32),
        pltpu.SemaphoreType.DMA,
    ],
)(_sc_body)


@jax.jit
def kernel(edge_index_t, edge_attr, node_emb_weight, r_emb_weight):
    h_idx = edge_index_t[0].reshape(_NW * _NCHUNK, _CHUNK)
    t_idx = edge_index_t[1].reshape(_NW * _NCHUNK, _CHUNK)
    r_idx = edge_attr[:, 0].reshape(_NW * _NCHUNK, _CHUNK)
    partials = _sc_call(h_idx, t_idx, r_idx, node_emb_weight, r_emb_weight)
    return jnp.sum(partials) * (1.0 / (_E * _EMB_DIM))

# --- scband reference (transcript-rebuilt; emitter-appended) ---
"""Pipeline reference for scband-kgnet-52536039965432 (READ-ONLY COPY).

The authoritative reference and input builder live on the scoring server;
editing this copy changes nothing except your own understanding.
"""

import jax, jax.numpy as jnp
import numpy as np

EMB_DIM = 32
NUM_NODES = 1000000
NUM_RELATIONS = 100
E = 16384

def setup_inputs(seed: int = 0) -> dict:
    key = jax.random.key(seed)
    k1, k2, k3, k4 = jax.random.split(key, 4)
    edge_index_t = jax.random.randint(k1, (2, E), 0, NUM_NODES, dtype=jnp.int64 if jax.config.jax_enable_x64 else jnp.int32).astype(jnp.int32)
    edge_attr = jax.random.randint(k2, (E, 2), 0, NUM_RELATIONS).astype(jnp.int32)
    node_emb_weight = jax.random.normal(k3, (NUM_NODES, EMB_DIM), dtype=jnp.float32)
    r_emb_weight = jax.random.normal(k4, (NUM_RELATIONS, EMB_DIM), dtype=jnp.float32)
    return {"edge_index_t": edge_index_t, "edge_attr": edge_attr, "node_emb_weight": node_emb_weight, "r_emb_weight": r_emb_weight}

def reference(edge_index_t, edge_attr, node_emb_weight, r_emb_weight):
    # KGNet.get_kg_loss with pretrain='trans_e'
    r_idx = edge_attr[:, 0]
    r_emb = jnp.take(r_emb_weight, r_idx, axis=0)          # [E, D]
    r_idx_half = r_idx // 2                                  # r_idx /= 2 (unused by trans_e_project)
    head = jnp.take(node_emb_weight, edge_index_t[:1, :], axis=0)   # [1, E, D] (trans_e_project = identity)
    tail = jnp.take(node_emb_weight, edge_index_t[1:2, :], axis=0)  # [1, E, D]
    tail = jax.lax.stop_gradient(tail)                       # tail.detach()
    pred = head + r_emb                                      # broadcast [1, E, D]
    loss_t = jnp.mean((pred - tail) ** 2)                    # MSELoss
    return loss_t

if __name__ == "__main__":
    import jax
    _d = setup_inputs()
    print(jax.jit(kernel)(*tuple(_d.values())))

</pallas_src>

<mosaic_0001>
#map = affine_map<(d0, d1) -> (0, 0)>
module attributes {stable_mosaic.version = 14 : i64} {
  func.func @_sc_body(%arg0: i32, %arg1: i32, %arg2: memref<128x128xi32, #tpu.memory_space<hbm>>, %arg3: memref<128x128xi32, #tpu.memory_space<hbm>>, %arg4: memref<128x128xi32, #tpu.memory_space<hbm>>, %arg5: memref<1000000x32xf32, #tpu.memory_space<hbm>>, %arg6: memref<100x32xf32, #tpu.memory_space<hbm>>, %arg7: memref<32x16xf32, #tpu.memory_space<hbm>>, %arg8: memref<4x128xi32, #tpu.memory_space<vmem>>, %arg9: memref<4x128xi32, #tpu.memory_space<vmem>>, %arg10: memref<4x128xi32, #tpu.memory_space<vmem>>, %arg11: memref<512x32xf32, #tpu.memory_space<vmem>>, %arg12: memref<512x32xf32, #tpu.memory_space<vmem>>, %arg13: memref<512x32xf32, #tpu.memory_space<vmem>>, %arg14: memref<16xf32, #tpu.memory_space<vmem>>, %arg15: memref<!tpu.dma_semaphore, #tpu.memory_space<semaphore_mem>>) attributes {dimension_semantics = [#tpu.dimension_semantics<core_parallel>, #tpu.dimension_semantics<subcore_parallel>], iteration_bounds = array<i64: 2, 16>, scalar_prefetch = 0 : i64, scratch_operands = 8 : i64, tpu.core_type = #tpu.core_type<sc_vector_subcore>, window_params = [{transform_indices = #map}, {transform_indices = #map}, {transform_indices = #map}, {transform_indices = #map}, {transform_indices = #map}, {transform_indices = #map}]} {
    %mul3A = arith.constant 2 : i32
    %mul3A_0 = arith.muli %arg1, %mul3A : i32
    %add3A = arith.addi %mul3A_0, %arg0 : i32
    %mul3A_1 = arith.constant 4 : i32
    %mul3A_2 = arith.muli %add3A, %mul3A_1 : i32
    "tpu.region"() ({
      %run_scoped3A = tpu.sem_alloc : memref<!tpu.dma_semaphore, #tpu.memory_space<semaphore_mem>>
      %dma_start3A_251 = arith.constant 0 : i32
      %dma_start3A_252 = tpu.memref_slice %arg2[%mul3A_2, %dma_start3A_251] : memref<128x128xi32, #tpu.memory_space<hbm>> -> memref<4x128xi32, #tpu.memory_space<hbm>>
      %dma_start3A_253 = arith.constant 0 : i32
      %dma_start3A_254 = tpu.memref_slice %arg2[%mul3A_2, %dma_start3A_253] : memref<128x128xi32, #tpu.memory_space<hbm>> -> memref<4x128xi32, #tpu.memory_space<hbm>>
      tpu.enqueue_dma source(%dma_start3A_254 : memref<4x128xi32, #tpu.memory_space<hbm>>) target(%arg8 : memref<4x128xi32, #tpu.memory_space<vmem>>) target_semaphore(%run_scoped3A : memref<!tpu.dma_semaphore, #tpu.memory_space<semaphore_mem>>)
      %dma_wait3A_255 = arith.constant 0 : i32
      %dma_wait3A_256 = tpu.memref_slice %arg2[%mul3A_2, %dma_wait3A_255] : memref<128x128xi32, #tpu.memory_space<hbm>> -> memref<4x128xi32, #tpu.memory_space<hbm>>
      %dma_wait3A_257 = arith.constant 0 : i32
      %dma_wait3A_258 = tpu.memref_slice %arg2[%mul3A_2, %dma_wait3A_257] : memref<128x128xi32, #tpu.memory_space<hbm>> -> memref<4x128xi32, #tpu.memory_space<hbm>>
      tpu.wait_dma2 semaphore(%run_scoped3A : memref<!tpu.dma_semaphore, #tpu.memory_space<semaphore_mem>>) src(%dma_wait3A_258 : memref<4x128xi32, #tpu.memory_space<hbm>>) dst(%arg8 : memref<4x128xi32, #tpu.memory_space<vmem>>)
      tpu.yield
    }) : () -> ()
    "tpu.region"() ({
      %run_scoped3A = tpu.sem_alloc : memref<!tpu.dma_semaphore, #tpu.memory_space<semaphore_mem>>
      %dma_start3A_251 = arith.constant 0 : i32
      %dma_start3A_252 = tpu.memref_slice %arg3[%mul3A_2, %dma_start3A_251] : memref<128x128xi32, #tpu.memory_space<hbm>> -> memref<4x128xi32, #tpu.memory_space<hbm>>
      %dma_start3A_253 = arith.constant 0 : i32
      %dma_start3A_254 = tpu.memref_slice %arg3[%mul3A_2, %dma_start3A_253] : memref<128x128xi32, #tpu.memory_space<hbm>> -> memref<4x128xi32, #tpu.memory_space<hbm>>
      tpu.enqueue_dma source(%dma_start3A_254 : memref<4x128xi32, #tpu.memory_space<hbm>>) target(%arg9 : memref<4x128xi32, #tpu.memory_space<vmem>>) target_semaphore(%run_scoped3A : memref<!tpu.dma_semaphore, #tpu.memory_space<semaphore_mem>>)
      %dma_wait3A_255 = arith.constant 0 : i32
      %dma_wait3A_256 = tpu.memref_slice %arg3[%mul3A_2, %dma_wait3A_255] : memref<128x128xi32, #tpu.memory_space<hbm>> -> memref<4x128xi32, #tpu.memory_space<hbm>>
      %dma_wait3A_257 = arith.constant 0 : i32
      %dma_wait3A_258 = tpu.memref_slice %arg3[%mul3A_2, %dma_wait3A_257] : memref<128x128xi32, #tpu.memory_space<hbm>> -> memref<4x128xi32, #tpu.memory_space<hbm>>
      tpu.wait_dma2 semaphore(%run_scoped3A : memref<!tpu.dma_semaphore, #tpu.memory_space<semaphore_mem>>) src(%dma_wait3A_258 : memref<4x128xi32, #tpu.memory_space<hbm>>) dst(%arg9 : memref<4x128xi32, #tpu.memory_space<vmem>>)
      tpu.yield
    }) : () -> ()
    "tpu.region"() ({
      %run_scoped3A = tpu.sem_alloc : memref<!tpu.dma_semaphore, #tpu.memory_space<semaphore_mem>>
      %dma_start3A_251 = arith.constant 0 : i32
      %dma_start3A_252 = tpu.memref_slice %arg4[%mul3A_2, %dma_start3A_251] : memref<128x128xi32, #tpu.memory_space<hbm>> -> memref<4x128xi32, #tpu.memory_space<hbm>>
      %dma_start3A_253 = arith.constant 0 : i32
      %dma_start3A_254 = tpu.memref_slice %arg4[%mul3A_2, %dma_start3A_253] : memref<128x128xi32, #tpu.memory_space<hbm>> -> memref<4x128xi32, #tpu.memory_space<hbm>>
      tpu.enqueue_dma source(%dma_start3A_254 : memref<4x128xi32, #tpu.memory_space<hbm>>) target(%arg10 : memref<4x128xi32, #tpu.memory_space<vmem>>) target_semaphore(%run_scoped3A : memref<!tpu.dma_semaphore, #tpu.memory_space<semaphore_mem>>)
      %dma_wait3A_255 = arith.constant 0 : i32
      %dma_wait3A_256 = tpu.memref_slice %arg4[%mul3A_2, %dma_wait3A_255] : memref<128x128xi32, #tpu.memory_space<hbm>> -> memref<4x128xi32, #tpu.memory_space<hbm>>
      %dma_wait3A_257 = arith.constant 0 : i32
      %dma_wait3A_258 = tpu.memref_slice %arg4[%mul3A_2, %dma_wait3A_257] : memref<128x128xi32, #tpu.memory_space<hbm>> -> memref<4x128xi32, #tpu.memory_space<hbm>>
      tpu.wait_dma2 semaphore(%run_scoped3A : memref<!tpu.dma_semaphore, #tpu.memory_space<semaphore_mem>>) src(%dma_wait3A_258 : memref<4x128xi32, #tpu.memory_space<hbm>>) dst(%arg10 : memref<4x128xi32, #tpu.memory_space<vmem>>)
      tpu.yield
    }) : () -> ()
    %dma_start3A = arith.constant 0 : i32
    %dma_start3A_3 = arith.constant 0 : i32
    %dma_start3A_4 = arith.constant 0 : i32
    %dma_start3A_5 = tpu.memref_slice %arg11[%dma_start3A_3, %dma_start3A_4] : memref<512x32xf32, #tpu.memory_space<vmem>> -> memref<128x32xf32, #tpu.memory_space<vmem>>
    %dma_start3A_6 = arith.constant 0 : i32
    %dma_start3A_7 = tpu.memref_slice %arg8[%dma_start3A, %dma_start3A_6] : memref<4x128xi32, #tpu.memory_space<vmem>> -> memref<1x128xi32, #tpu.memory_space<vmem>>
    %dma_start3A_8 = tpu.memref_squeeze %dma_start3A_7 : memref<1x128xi32, #tpu.memory_space<vmem>> -> memref<128xi32, #tpu.memory_space<vmem>>
    %dma_start3A_9 = arith.constant 0 : i32
    %dma_start3A_10 = arith.constant 0 : i32
    %dma_start3A_11 = tpu.memref_slice %arg5[%dma_start3A_9, %dma_start3A_10] : memref<1000000x32xf32, #tpu.memory_space<hbm>> -> memref<1000000x32xf32, #tpu.memory_space<hbm>>
    tpu.enqueue_indirect_dma source(%dma_start3A_11 : memref<1000000x32xf32, #tpu.memory_space<hbm>>) target(%dma_start3A_5 : memref<128x32xf32, #tpu.memory_space<vmem>>) offsets(%dma_start3A_8 : memref<128xi32, #tpu.memory_space<vmem>>) semaphore(%arg15 : memref<!tpu.dma_semaphore, #tpu.memory_space<semaphore_mem>>)
    %dma_start3A_12 = arith.constant 0 : i32
    %dma_start3A_13 = arith.constant 0 : i32
    %dma_start3A_14 = arith.constant 0 : i32
    %dma_start3A_15 = tpu.memref_slice %arg12[%dma_start3A_13, %dma_start3A_14] : memref<512x32xf32, #tpu.memory_space<vmem>> -> memref<128x32xf32, #tpu.memory_space<vmem>>
    %dma_start3A_16 = arith.constant 0 : i32
    %dma_start3A_17 = tpu.memref_slice %arg9[%dma_start3A_12, %dma_start3A_16] : memref<4x128xi32, #tpu.memory_space<vmem>> -> memref<1x128xi32, #tpu.memory_space<vmem>>
    %dma_start3A_18 = tpu.memref_squeeze %dma_start3A_17 : memref<1x128xi32, #tpu.memory_space<vmem>> -> memref<128xi32, #tpu.memory_space<vmem>>
    %dma_start3A_19 = arith.constant 0 : i32
    %dma_start3A_20 = arith.constant 0 : i32
    %dma_start3A_21 = tpu.memref_slice %arg5[%dma_start3A_19, %dma_start3A_20] : memref<1000000x32xf32, #tpu.memory_space<hbm>> -> memref<1000000x32xf32, #tpu.memory_space<hbm>>
    tpu.enqueue_indirect_dma source(%dma_start3A_21 : memref<1000000x32xf32, #tpu.memory_space<hbm>>) target(%dma_start3A_15 : memref<128x32xf32, #tpu.memory_space<vmem>>) offsets(%dma_start3A_18 : memref<128xi32, #tpu.memory_space<vmem>>) semaphore(%arg15 : memref<!tpu.dma_semaphore, #tpu.memory_space<semaphore_mem>>)
    %dma_start3A_22 = arith.constant 0 : i32
    %dma_start3A_23 = arith.constant 0 : i32
    %dma_start3A_24 = arith.constant 0 : i32
    %dma_start3A_25 = tpu.memref_slice %arg13[%dma_start3A_23, %dma_start3A_24] : memref<512x32xf32, #tpu.memory_space<vmem>> -> memref<128x32xf32, #tpu.memory_space<vmem>>
    %dma_start3A_26 = arith.constant 0 : i32
    %dma_start3A_27 = tpu.memref_slice %arg10[%dma_start3A_22, %dma_start3A_26] : memref<4x128xi32, #tpu.memory_space<vmem>> -> memref<1x128xi32, #tpu.memory_space<vmem>>
    %dma_start3A_28 = tpu.memref_squeeze %dma_start3A_27 : memref<1x128xi32, #tpu.memory_space<vmem>> -> memref<128xi32, #tpu.memory_space<vmem>>
    %dma_start3A_29 = arith.constant 0 : i32
    %dma_start3A_30 = arith.constant 0 : i32
    %dma_start3A_31 = tpu.memref_slice %arg6[%dma_start3A_29, %dma_start3A_30] : memref<100x32xf32, #tpu.memory_space<hbm>> -> memref<100x32xf32, #tpu.memory_space<hbm>>
    tpu.enqueue_indirect_dma source(%dma_start3A_31 : memref<100x32xf32, #tpu.memory_space<hbm>>) target(%dma_start3A_25 : memref<128x32xf32, #tpu.memory_space<vmem>>) offsets(%dma_start3A_28 : memref<128xi32, #tpu.memory_space<vmem>>) semaphore(%arg15 : memref<!tpu.dma_semaphore, #tpu.memory_space<semaphore_mem>>)
    %dma_start3A_32 = arith.constant 1 : i32
    %dma_start3A_33 = arith.constant 128 : i32
    %dma_start3A_34 = arith.constant 0 : i32
    %dma_start3A_35 = tpu.memref_slice %arg11[%dma_start3A_33, %dma_start3A_34] : memref<512x32xf32, #tpu.memory_space<vmem>> -> memref<128x32xf32, #tpu.memory_space<vmem>>
    %dma_start3A_36 = arith.constant 0 : i32
    %dma_start3A_37 = tpu.memref_slice %arg8[%dma_start3A_32, %dma_start3A_36] : memref<4x128xi32, #tpu.memory_space<vmem>> -> memref<1x128xi32, #tpu.memory_space<vmem>>
    %dma_start3A_38 = tpu.memref_squeeze %dma_start3A_37 : memref<1x128xi32, #tpu.memory_space<vmem>> -> memref<128xi32, #tpu.memory_space<vmem>>
    %dma_start3A_39 = arith.constant 0 : i32
    %dma_start3A_40 = arith.constant 0 : i32
    %dma_start3A_41 = tpu.memref_slice %arg5[%dma_start3A_39, %dma_start3A_40] : memref<1000000x32xf32, #tpu.memory_space<hbm>> -> memref<1000000x32xf32, #tpu.memory_space<hbm>>
    tpu.enqueue_indirect_dma source(%dma_start3A_41 : memref<1000000x32xf32, #tpu.memory_space<hbm>>) target(%dma_start3A_35 : memref<128x32xf32, #tpu.memory_space<vmem>>) offsets(%dma_start3A_38 : memref<128xi32, #tpu.memory_space<vmem>>) semaphore(%arg15 : memref<!tpu.dma_semaphore, #tpu.memory_space<semaphore_mem>>)
    %dma_start3A_42 = arith.constant 1 : i32
    %dma_start3A_43 = arith.constant 128 : i32
    %dma_start3A_44 = arith.constant 0 : i32
    %dma_start3A_45 = tpu.memref_slice %arg12[%dma_start3A_43, %dma_start3A_44] : memref<512x32xf32, #tpu.memory_space<vmem>> -> memref<128x32xf32, #tpu.memory_space<vmem>>
    %dma_start3A_46 = arith.constant 0 : i32
    %dma_start3A_47 = tpu.memref_slice %arg9[%dma_start3A_42, %dma_start3A_46] : memref<4x128xi32, #tpu.memory_space<vmem>> -> memref<1x128xi32, #tpu.memory_space<vmem>>
    %dma_start3A_48 = tpu.memref_squeeze %dma_start3A_47 : memref<1x128xi32, #tpu.memory_space<vmem>> -> memref<128xi32, #tpu.memory_space<vmem>>
    %dma_start3A_49 = arith.constant 0 : i32
    %dma_start3A_50 = arith.constant 0 : i32
    %dma_start3A_51 = tpu.memref_slice %arg5[%dma_start3A_49, %dma_start3A_50] : memref<1000000x32xf32, #tpu.memory_space<hbm>> -> memref<1000000x32xf32, #tpu.memory_space<hbm>>
    tpu.enqueue_indirect_dma source(%dma_start3A_51 : memref<1000000x32xf32, #tpu.memory_space<hbm>>) target(%dma_start3A_45 : memref<128x32xf32, #tpu.memory_space<vmem>>) offsets(%dma_start3A_48 : memref<128xi32, #tpu.memory_space<vmem>>) semaphore(%arg15 : memref<!tpu.dma_semaphore, #tpu.memory_space<semaphore_mem>>)
    %dma_start3A_52 = arith.constant 1 : i32
    %dma_start3A_53 = arith.constant 128 : i32
    %dma_start3A_54 = arith.constant 0 : i32
    %dma_start3A_55 = tpu.memref_slice %arg13[%dma_start3A_53, %dma_start3A_54] : memref<512x32xf32, #tpu.memory_space<vmem>> -> memref<128x32xf32, #tpu.memory_space<vmem>>
    %dma_start3A_56 = arith.constant 0 : i32
    %dma_start3A_57 = tpu.memref_slice %arg10[%dma_start3A_52, %dma_start3A_56] : memref<4x128xi32, #tpu.memory_space<vmem>> -> memref<1x128xi32, #tpu.memory_space<vmem>>
    %dma_start3A_58 = tpu.memref_squeeze %dma_start3A_57 : memref<1x128xi32, #tpu.memory_space<vmem>> -> memref<128xi32, #tpu.memory_space<vmem>>
    %dma_start3A_59 = arith.constant 0 : i32
    %dma_start3A_60 = arith.constant 0 : i32
    %dma_start3A_61 = tpu.memref_slice %arg6[%dma_start3A_59, %dma_start3A_60] : memref<100x32xf32, #tpu.memory_space<hbm>> -> memref<100x32xf32, #tpu.memory_space<hbm>>
    tpu.enqueue_indirect_dma source(%dma_start3A_61 : memref<100x32xf32, #tpu.memory_space<hbm>>) target(%dma_start3A_55 : memref<128x32xf32, #tpu.memory_space<vmem>>) offsets(%dma_start3A_58 : memref<128xi32, #tpu.memory_space<vmem>>) semaphore(%arg15 : memref<!tpu.dma_semaphore, #tpu.memory_space<semaphore_mem>>)
    %dma_start3A_62 = arith.constant 2 : i32
    %dma_start3A_63 = arith.constant 256 : i32
    %dma_start3A_64 = arith.constant 0 : i32
    %dma_start3A_65 = tpu.memref_slice %arg11[%dma_start3A_63, %dma_start3A_64] : memref<512x32xf32, #tpu.memory_space<vmem>> -> memref<128x32xf32, #tpu.memory_space<vmem>>
    %dma_start3A_66 = arith.constant 0 : i32
    %dma_start3A_67 = tpu.memref_slice %arg8[%dma_start3A_62, %dma_start3A_66] : memref<4x128xi32, #tpu.memory_space<vmem>> -> memref<1x128xi32, #tpu.memory_space<vmem>>
    %dma_start3A_68 = tpu.memref_squeeze %dma_start3A_67 : memref<1x128xi32, #tpu.memory_space<vmem>> -> memref<128xi32, #tpu.memory_space<vmem>>
    %dma_start3A_69 = arith.constant 0 : i32
    %dma_start3A_70 = arith.constant 0 : i32
    %dma_start3A_71 = tpu.memref_slice %arg5[%dma_start3A_69, %dma_start3A_70] : memref<1000000x32xf32, #tpu.memory_space<hbm>> -> memref<1000000x32xf32, #tpu.memory_space<hbm>>
    tpu.enqueue_indirect_dma source(%dma_start3A_71 : memref<1000000x32xf32, #tpu.memory_space<hbm>>) target(%dma_start3A_65 : memref<128x32xf32, #tpu.memory_space<vmem>>) offsets(%dma_start3A_68 : memref<128xi32, #tpu.memory_space<vmem>>) semaphore(%arg15 : memref<!tpu.dma_semaphore, #tpu.memory_space<semaphore_mem>>)
    %dma_start3A_72 = arith.constant 2 : i32
    %dma_start3A_73 = arith.constant 256 : i32
    %dma_start3A_74 = arith.constant 0 : i32
    %dma_start3A_75 = tpu.memref_slice %arg12[%dma_start3A_73, %dma_start3A_74] : memref<512x32xf32, #tpu.memory_space<vmem>> -> memref<128x32xf32, #tpu.memory_space<vmem>>
    %dma_start3A_76 = arith.constant 0 : i32
    %dma_start3A_77 = tpu.memref_slice %arg9[%dma_start3A_72, %dma_start3A_76] : memref<4x128xi32, #tpu.memory_space<vmem>> -> memref<1x128xi32, #tpu.memory_space<vmem>>
    %dma_start3A_78 = tpu.memref_squeeze %dma_start3A_77 : memref<1x128xi32, #tpu.memory_space<vmem>> -> memref<128xi32, #tpu.memory_space<vmem>>
    %dma_start3A_79 = arith.constant 0 : i32
    %dma_start3A_80 = arith.constant 0 : i32
    %dma_start3A_81 = tpu.memref_slice %arg5[%dma_start3A_79, %dma_start3A_80] : memref<1000000x32xf32, #tpu.memory_space<hbm>> -> memref<1000000x32xf32, #tpu.memory_space<hbm>>
    tpu.enqueue_indirect_dma source(%dma_start3A_81 : memref<1000000x32xf32, #tpu.memory_space<hbm>>) target(%dma_start3A_75 : memref<128x32xf32, #tpu.memory_space<vmem>>) offsets(%dma_start3A_78 : memref<128xi32, #tpu.memory_space<vmem>>) semaphore(%arg15 : memref<!tpu.dma_semaphore, #tpu.memory_space<semaphore_mem>>)
    %dma_start3A_82 = arith.constant 2 : i32
    %dma_start3A_83 = arith.constant 256 : i32
    %dma_start3A_84 = arith.constant 0 : i32
    %dma_start3A_85 = tpu.memref_slice %arg13[%dma_start3A_83, %dma_start3A_84] : memref<512x32xf32, #tpu.memory_space<vmem>> -> memref<128x32xf32, #tpu.memory_space<vmem>>
    %dma_start3A_86 = arith.constant 0 : i32
    %dma_start3A_87 = tpu.memref_slice %arg10[%dma_start3A_82, %dma_start3A_86] : memref<4x128xi32, #tpu.memory_space<vmem>> -> memref<1x128xi32, #tpu.memory_space<vmem>>
    %dma_start3A_88 = tpu.memref_squeeze %dma_start3A_87 : memref<1x128xi32, #tpu.memory_space<vmem>> -> memref<128xi32, #tpu.memory_space<vmem>>
    %dma_start3A_89 = arith.constant 0 : i32
    %dma_start3A_90 = arith.constant 0 : i32
    %dma_start3A_91 = tpu.memref_slice %arg6[%dma_start3A_89, %dma_start3A_90] : memref<100x32xf32, #tpu.memory_space<hbm>> -> memref<100x32xf32, #tpu.memory_space<hbm>>
    tpu.enqueue_indirect_dma source(%dma_start3A_91 : memref<100x32xf32, #tpu.memory_space<hbm>>) target(%dma_start3A_85 : memref<128x32xf32, #tpu.memory_space<vmem>>) offsets(%dma_start3A_88 : memref<128xi32, #tpu.memory_space<vmem>>) semaphore(%arg15 : memref<!tpu.dma_semaphore, #tpu.memory_space<semaphore_mem>>)
    %dma_start3A_92 = arith.constant 3 : i32
    %dma_start3A_93 = arith.constant 384 : i32
    %dma_start3A_94 = arith.constant 0 : i32
    %dma_start3A_95 = tpu.memref_slice %arg11[%dma_start3A_93, %dma_start3A_94] : memref<512x32xf32, #tpu.memory_space<vmem>> -> memref<128x32xf32, #tpu.memory_space<vmem>>
    %dma_start3A_96 = arith.constant 0 : i32
    %dma_start3A_97 = tpu.memref_slice %arg8[%dma_start3A_92, %dma_start3A_96] : memref<4x128xi32, #tpu.memory_space<vmem>> -> memref<1x128xi32, #tpu.memory_space<vmem>>
    %dma_start3A_98 = tpu.memref_squeeze %dma_start3A_97 : memref<1x128xi32, #tpu.memory_space<vmem>> -> memref<128xi32, #tpu.memory_space<vmem>>
    %dma_start3A_99 = arith.constant 0 : i32
    %dma_start3A_100 = arith.constant 0 : i32
    %dma_start3A_101 = tpu.memref_slice %arg5[%dma_start3A_99, %dma_start3A_100] : memref<1000000x32xf32, #tpu.memory_space<hbm>> -> memref<1000000x32xf32, #tpu.memory_space<hbm>>
    tpu.enqueue_indirect_dma source(%dma_start3A_101 : memref<1000000x32xf32, #tpu.memory_space<hbm>>) target(%dma_start3A_95 : memref<128x32xf32, #tpu.memory_space<vmem>>) offsets(%dma_start3A_98 : memref<128xi32, #tpu.memory_space<vmem>>) semaphore(%arg15 : memref<!tpu.dma_semaphore, #tpu.memory_space<semaphore_mem>>)
    %dma_start3A_102 = arith.constant 3 : i32
    %dma_start3A_103 = arith.constant 384 : i32
    %dma_start3A_104 = arith.constant 0 : i32
    %dma_start3A_105 = tpu.memref_slice %arg12[%dma_start3A_103, %dma_start3A_104] : memref<512x32xf32, #tpu.memory_space<vmem>> -> memref<128x32xf32, #tpu.memory_space<vmem>>
    %dma_start3A_106 = arith.constant 0 : i32
    %dma_start3A_107 = tpu.memref_slice %arg9[%dma_start3A_102, %dma_start3A_106] : memref<4x128xi32, #tpu.memory_space<vmem>> -> memref<1x128xi32, #tpu.memory_space<vmem>>
    %dma_start3A_108 = tpu.memref_squeeze %dma_start3A_107 : memref<1x128xi32, #tpu.memory_space<vmem>> -> memref<128xi32, #tpu.memory_space<vmem>>
    %dma_start3A_109 = arith.constant 0 : i32
    %dma_start3A_110 = arith.constant 0 : i32
    %dma_start3A_111 = tpu.memref_slice %arg5[%dma_start3A_109, %dma_start3A_110] : memref<1000000x32xf32, #tpu.memory_space<hbm>> -> memref<1000000x32xf32, #tpu.memory_space<hbm>>
    tpu.enqueue_indirect_dma source(%dma_start3A_111 : memref<1000000x32xf32, #tpu.memory_space<hbm>>) target(%dma_start3A_105 : memref<128x32xf32, #tpu.memory_space<vmem>>) offsets(%dma_start3A_108 : memref<128xi32, #tpu.memory_space<vmem>>) semaphore(%arg15 : memref<!tpu.dma_semaphore, #tpu.memory_space<semaphore_mem>>)
    %dma_start3A_112 = arith.constant 3 : i32
    %dma_start3A_113 = arith.constant 384 : i32
    %dma_start3A_114 = arith.constant 0 : i32
    %dma_start3A_115 = tpu.memref_slice %arg13[%dma_start3A_113, %dma_start3A_114] : memref<512x32xf32, #tpu.memory_space<vmem>> -> memref<128x32xf32, #tpu.memory_space<vmem>>
    %dma_start3A_116 = arith.constant 0 : i32
    %dma_start3A_117 = tpu.memref_slice %arg10[%dma_start3A_112, %dma_start3A_116] : memref<4x128xi32, #tpu.memory_space<vmem>> -> memref<1x128xi32, #tpu.memory_space<vmem>>
    %dma_start3A_118 = tpu.memref_squeeze %dma_start3A_117 : memref<1x128xi32, #tpu.memory_space<vmem>> -> memref<128xi32, #tpu.memory_space<vmem>>
    %dma_start3A_119 = arith.constant 0 : i32
    %dma_start3A_120 = arith.constant 0 : i32
    %dma_start3A_121 = tpu.memref_slice %arg6[%dma_start3A_119, %dma_start3A_120] : memref<100x32xf32, #tpu.memory_space<hbm>> -> memref<100x32xf32, #tpu.memory_space<hbm>>
    tpu.enqueue_indirect_dma source(%dma_start3A_121 : memref<100x32xf32, #tpu.memory_space<hbm>>) target(%dma_start3A_115 : memref<128x32xf32, #tpu.memory_space<vmem>>) offsets(%dma_start3A_118 : memref<128xi32, #tpu.memory_space<vmem>>) semaphore(%arg15 : memref<!tpu.dma_semaphore, #tpu.memory_space<semaphore_mem>>)
    %dma_wait3A = arith.constant 0 : i32
    %dma_wait3A_122 = arith.constant 0 : i32
    %dma_wait3A_123 = arith.constant 0 : i32
    %dma_wait3A_124 = tpu.memref_slice %arg11[%dma_wait3A_122, %dma_wait3A_123] : memref<512x32xf32, #tpu.memory_space<vmem>> -> memref<128x32xf32, #tpu.memory_space<vmem>>
    %dma_wait3A_125 = arith.constant 0 : i32
    %dma_wait3A_126 = tpu.memref_slice %arg8[%dma_wait3A, %dma_wait3A_125] : memref<4x128xi32, #tpu.memory_space<vmem>> -> memref<1x128xi32, #tpu.memory_space<vmem>>
    %dma_wait3A_127 = tpu.memref_squeeze %dma_wait3A_126 : memref<1x128xi32, #tpu.memory_space<vmem>> -> memref<128xi32, #tpu.memory_space<vmem>>
    %dma_wait3A_128 = arith.constant 0 : i32
    %dma_wait3A_129 = arith.constant 0 : i32
    %dma_wait3A_130 = tpu.memref_slice %arg5[%dma_wait3A_128, %dma_wait3A_129] : memref<1000000x32xf32, #tpu.memory_space<hbm>> -> memref<1000000x32xf32, #tpu.memory_space<hbm>>
    tpu.wait_indirect_dma semaphore(%arg15 : memref<!tpu.dma_semaphore, #tpu.memory_space<semaphore_mem>>) src(%dma_wait3A_130 : memref<1000000x32xf32, #tpu.memory_space<hbm>>) dst(%dma_wait3A_124 : memref<128x32xf32, #tpu.memory_space<vmem>>)
    %dma_wait3A_131 = arith.constant 0 : i32
    %dma_wait3A_132 = arith.constant 0 : i32
    %dma_wait3A_133 = arith.constant 0 : i32
    %dma_wait3A_134 = tpu.memref_slice %arg12[%dma_wait3A_132, %dma_wait3A_133] : memref<512x32xf32, #tpu.memory_space<vmem>> -> memref<128x32xf32, #tpu.memory_space<vmem>>
    %dma_wait3A_135 = arith.constant 0 : i32
    %dma_wait3A_136 = tpu.memref_slice %arg9[%dma_wait3A_131, %dma_wait3A_135] : memref<4x128xi32, #tpu.memory_space<vmem>> -> memref<1x128xi32, #tpu.memory_space<vmem>>
    %dma_wait3A_137 = tpu.memref_squeeze %dma_wait3A_136 : memref<1x128xi32, #tpu.memory_space<vmem>> -> memref<128xi32, #tpu.memory_space<vmem>>
    %dma_wait3A_138 = arith.constant 0 : i32
    %dma_wait3A_139 = arith.constant 0 : i32
    %dma_wait3A_140 = tpu.memref_slice %arg5[%dma_wait3A_138, %dma_wait3A_139] : memref<1000000x32xf32, #tpu.memory_space<hbm>> -> memref<1000000x32xf32, #tpu.memory_space<hbm>>
    tpu.wait_indirect_dma semaphore(%arg15 : memref<!tpu.dma_semaphore, #tpu.memory_space<semaphore_mem>>) src(%dma_wait3A_140 : memref<1000000x32xf32, #tpu.memory_space<hbm>>) dst(%dma_wait3A_134 : memref<128x32xf32, #tpu.memory_space<vmem>>)
    %dma_wait3A_141 = arith.constant 0 : i32
    %dma_wait3A_142 = arith.constant 0 : i32
    %dma_wait3A_143 = arith.constant 0 : i32
    %dma_wait3A_144 = tpu.memref_slice %arg13[%dma_wait3A_142, %dma_wait3A_143] : memref<512x32xf32, #tpu.memory_space<vmem>> -> memref<128x32xf32, #tpu.memory_space<vmem>>
    %dma_wait3A_145 = arith.constant 0 : i32
    %dma_wait3A_146 = tpu.memref_slice %arg10[%dma_wait3A_141, %dma_wait3A_145] : memref<4x128xi32, #tpu.memory_space<vmem>> -> memref<1x128xi32, #tpu.memory_space<vmem>>
    %dma_wait3A_147 = tpu.memref_squeeze %dma_wait3A_146 : memref<1x128xi32, #tpu.memory_space<vmem>> -> memref<128xi32, #tpu.memory_space<vmem>>
    %dma_wait3A_148 = arith.constant 0 : i32
    %dma_wait3A_149 = arith.constant 0 : i32
    %dma_wait3A_150 = tpu.memref_slice %arg6[%dma_wait3A_148, %dma_wait3A_149] : memref<100x32xf32, #tpu.memory_space<hbm>> -> memref<100x32xf32, #tpu.memory_space<hbm>>
    tpu.wait_indirect_dma semaphore(%arg15 : memref<!tpu.dma_semaphore, #tpu.memory_space<semaphore_mem>>) src(%dma_wait3A_150 : memref<100x32xf32, #tpu.memory_space<hbm>>) dst(%dma_wait3A_144 : memref<128x32xf32, #tpu.memory_space<vmem>>)
    %dma_wait3A_151 = arith.constant 1 : i32
    %dma_wait3A_152 = arith.constant 128 : i32
    %dma_wait3A_153 = arith.constant 0 : i32
    %dma_wait3A_154 = tpu.memref_slice %arg11[%dma_wait3A_152, %dma_wait3A_153] : memref<512x32xf32, #tpu.memory_space<vmem>> -> memref<128x32xf32, #tpu.memory_space<vmem>>
    %dma_wait3A_155 = arith.constant 0 : i32
    %dma_wait3A_156 = tpu.memref_slice %arg8[%dma_wait3A_151, %dma_wait3A_155] : memref<4x128xi32, #tpu.memory_space<vmem>> -> memref<1x128xi32, #tpu.memory_space<vmem>>
    %dma_wait3A_157 = tpu.memref_squeeze %dma_wait3A_156 : memref<1x128xi32, #tpu.memory_space<vmem>> -> memref<128xi32, #tpu.memory_space<vmem>>
    %dma_wait3A_158 = arith.constant 0 : i32
    %dma_wait3A_159 = arith.constant 0 : i32
    %dma_wait3A_160 = tpu.memref_slice %arg5[%dma_wait3A_158, %dma_wait3A_159] : memref<1000000x32xf32, #tpu.memory_space<hbm>> -> memref<1000000x32xf32, #tpu.memory_space<hbm>>
    tpu.wait_indirect_dma semaphore(%arg15 : memref<!tpu.dma_semaphore, #tpu.memory_space<semaphore_mem>>) src(%dma_wait3A_160 : memref<1000000x32xf32, #tpu.memory_space<hbm>>) dst(%dma_wait3A_154 : memref<128x32xf32, #tpu.memory_space<vmem>>)
    %dma_wait3A_161 = arith.constant 1 : i32
    %dma_wait3A_162 = arith.constant 128 : i32
    %dma_wait3A_163 = arith.constant 0 : i32
    %dma_wait3A_164 = tpu.memref_slice %arg12[%dma_wait3A_162, %dma_wait3A_163] : memref<512x32xf32, #tpu.memory_space<vmem>> -> memref<128x32xf32, #tpu.memory_space<vmem>>
    %dma_wait3A_165 = arith.constant 0 : i32
    %dma_wait3A_166 = tpu.memref_slice %arg9[%dma_wait3A_161, %dma_wait3A_165] : memref<4x128xi32, #tpu.memory_space<vmem>> -> memref<1x128xi32, #tpu.memory_space<vmem>>
    %dma_wait3A_167 = tpu.memref_squeeze %dma_wait3A_166 : memref<1x128xi32, #tpu.memory_space<vmem>> -> memref<128xi32, #tpu.memory_space<vmem>>
    %dma_wait3A_168 = arith.constant 0 : i32
    %dma_wait3A_169 = arith.constant 0 : i32
    %dma_wait3A_170 = tpu.memref_slice %arg5[%dma_wait3A_168, %dma_wait3A_169] : memref<1000000x32xf32, #tpu.memory_space<hbm>> -> memref<1000000x32xf32, #tpu.memory_space<hbm>>
    tpu.wait_indirect_dma semaphore(%arg15 : memref<!tpu.dma_semaphore, #tpu.memory_space<semaphore_mem>>) src(%dma_wait3A_170 : memref<1000000x32xf32, #tpu.memory_space<hbm>>) dst(%dma_wait3A_164 : memref<128x32xf32, #tpu.memory_space<vmem>>)
    %dma_wait3A_171 = arith.constant 1 : i32
    %dma_wait3A_172 = arith.constant 128 : i32
    %dma_wait3A_173 = arith.constant 0 : i32
    %dma_wait3A_174 = tpu.memref_slice %arg13[%dma_wait3A_172, %dma_wait3A_173] : memref<512x32xf32, #tpu.memory_space<vmem>> -> memref<128x32xf32, #tpu.memory_space<vmem>>
    %dma_wait3A_175 = arith.constant 0 : i32
    %dma_wait3A_176 = tpu.memref_slice %arg10[%dma_wait3A_171, %dma_wait3A_175] : memref<4x128xi32, #tpu.memory_space<vmem>> -> memref<1x128xi32, #tpu.memory_space<vmem>>
    %dma_wait3A_177 = tpu.memref_squeeze %dma_wait3A_176 : memref<1x128xi32, #tpu.memory_space<vmem>> -> memref<128xi32, #tpu.memory_space<vmem>>
    %dma_wait3A_178 = arith.constant 0 : i32
    %dma_wait3A_179 = arith.constant 0 : i32
    %dma_wait3A_180 = tpu.memref_slice %arg6[%dma_wait3A_178, %dma_wait3A_179] : memref<100x32xf32, #tpu.memory_space<hbm>> -> memref<100x32xf32, #tpu.memory_space<hbm>>
    tpu.wait_indirect_dma semaphore(%arg15 : memref<!tpu.dma_semaphore, #tpu.memory_space<semaphore_mem>>) src(%dma_wait3A_180 : memref<100x32xf32, #tpu.memory_space<hbm>>) dst(%dma_wait3A_174 : memref<128x32xf32, #tpu.memory_space<vmem>>)
    %dma_wait3A_181 = arith.constant 2 : i32
    %dma_wait3A_182 = arith.constant 256 : i32
    %dma_wait3A_183 = arith.constant 0 : i32
    %dma_wait3A_184 = tpu.memref_slice %arg11[%dma_wait3A_182, %dma_wait3A_183] : memref<512x32xf32, #tpu.memory_space<vmem>> -> memref<128x32xf32, #tpu.memory_space<vmem>>
    %dma_wait3A_185 = arith.constant 0 : i32
    %dma_wait3A_186 = tpu.memref_slice %arg8[%dma_wait3A_181, %dma_wait3A_185] : memref<4x128xi32, #tpu.memory_space<vmem>> -> memref<1x128xi32, #tpu.memory_space<vmem>>
    %dma_wait3A_187 = tpu.memref_squeeze %dma_wait3A_186 : memref<1x128xi32, #tpu.memory_space<vmem>> -> memref<128xi32, #tpu.memory_space<vmem>>
    %dma_wait3A_188 = arith.constant 0 : i32
    %dma_wait3A_189 = arith.constant 0 : i32
    %dma_wait3A_190 = tpu.memref_slice %arg5[%dma_wait3A_188, %dma_wait3A_189] : memref<1000000x32xf32, #tpu.memory_space<hbm>> -> memref<1000000x32xf32, #tpu.memory_space<hbm>>
    tpu.wait_indirect_dma semaphore(%arg15 : memref<!tpu.dma_semaphore, #tpu.memory_space<semaphore_mem>>) src(%dma_wait3A_190 : memref<1000000x32xf32, #tpu.memory_space<hbm>>) dst(%dma_wait3A_184 : memref<128x32xf32, #tpu.memory_space<vmem>>)
    %dma_wait3A_191 = arith.constant 2 : i32
    %dma_wait3A_192 = arith.constant 256 : i32
    %dma_wait3A_193 = arith.constant 0 : i32
    %dma_wait3A_194 = tpu.memref_slice %arg12[%dma_wait3A_192, %dma_wait3A_193] : memref<512x32xf32, #tpu.memory_space<vmem>> -> memref<128x32xf32, #tpu.memory_space<vmem>>
    %dma_wait3A_195 = arith.constant 0 : i32
    %dma_wait3A_196 = tpu.memref_slice %arg9[%dma_wait3A_191, %dma_wait3A_195] : memref<4x128xi32, #tpu.memory_space<vmem>> -> memref<1x128xi32, #tpu.memory_space<vmem>>
    %dma_wait3A_197 = tpu.memref_squeeze %dma_wait3A_196 : memref<1x128xi32, #tpu.memory_space<vmem>> -> memref<128xi32, #tpu.memory_space<vmem>>
    %dma_wait3A_198 = arith.constant 0 : i32
    %dma_wait3A_199 = arith.constant 0 : i32
    %dma_wait3A_200 = tpu.memref_slice %arg5[%dma_wait3A_198, %dma_wait3A_199] : memref<1000000x32xf32, #tpu.memory_space<hbm>> -> memref<1000000x32xf32, #tpu.memory_space<hbm>>
    tpu.wait_indirect_dma semaphore(%arg15 : memref<!tpu.dma_semaphore, #tpu.memory_space<semaphore_mem>>) src(%dma_wait3A_200 : memref<1000000x32xf32, #tpu.memory_space<hbm>>) dst(%dma_wait3A_194 : memref<128x32xf32, #tpu.memory_space<vmem>>)
    %dma_wait3A_201 = arith.constant 2 : i32
    %dma_wait3A_202 = arith.constant 256 : i32
    %dma_wait3A_203 = arith.constant 0 : i32
    %dma_wait3A_204 = tpu.memref_slice %arg13[%dma_wait3A_202, %dma_wait3A_203] : memref<512x32xf32, #tpu.memory_space<vmem>> -> memref<128x32xf32, #tpu.memory_space<vmem>>
    %dma_wait3A_205 = arith.constant 0 : i32
    %dma_wait3A_206 = tpu.memref_slice %arg10[%dma_wait3A_201, %dma_wait3A_205] : memref<4x128xi32, #tpu.memory_space<vmem>> -> memref<1x128xi32, #tpu.memory_space<vmem>>
    %dma_wait3A_207 = tpu.memref_squeeze %dma_wait3A_206 : memref<1x128xi32, #tpu.memory_space<vmem>> -> memref<128xi32, #tpu.memory_space<vmem>>
    %dma_wait3A_208 = arith.constant 0 : i32
    %dma_wait3A_209 = arith.constant 0 : i32
    %dma_wait3A_210 = tpu.memref_slice %arg6[%dma_wait3A_208, %dma_wait3A_209] : memref<100x32xf32, #tpu.memory_space<hbm>> -> memref<100x32xf32, #tpu.memory_space<hbm>>
    tpu.wait_indirect_dma semaphore(%arg15 : memref<!tpu.dma_semaphore, #tpu.memory_space<semaphore_mem>>) src(%dma_wait3A_210 : memref<100x32xf32, #tpu.memory_space<hbm>>) dst(%dma_wait3A_204 : memref<128x32xf32, #tpu.memory_space<vmem>>)
    %dma_wait3A_211 = arith.constant 3 : i32
    %dma_wait3A_212 = arith.constant 384 : i32
    %dma_wait3A_213 = arith.constant 0 : i32
    %dma_wait3A_214 = tpu.memref_slice %arg11[%dma_wait3A_212, %dma_wait3A_213] : memref<512x32xf32, #tpu.memory_space<vmem>> -> memref<128x32xf32, #tpu.memory_space<vmem>>
    %dma_wait3A_215 = arith.constant 0 : i32
    %dma_wait3A_216 = tpu.memref_slice %arg8[%dma_wait3A_211, %dma_wait3A_215] : memref<4x128xi32, #tpu.memory_space<vmem>> -> memref<1x128xi32, #tpu.memory_space<vmem>>
    %dma_wait3A_217 = tpu.memref_squeeze %dma_wait3A_216 : memref<1x128xi32, #tpu.memory_space<vmem>> -> memref<128xi32, #tpu.memory_space<vmem>>
    %dma_wait3A_218 = arith.constant 0 : i32
    %dma_wait3A_219 = arith.constant 0 : i32
    %dma_wait3A_220 = tpu.memref_slice %arg5[%dma_wait3A_218, %dma_wait3A_219] : memref<1000000x32xf32, #tpu.memory_space<hbm>> -> memref<1000000x32xf32, #tpu.memory_space<hbm>>
    tpu.wait_indirect_dma semaphore(%arg15 : memref<!tpu.dma_semaphore, #tpu.memory_space<semaphore_mem>>) src(%dma_wait3A_220 : memref<1000000x32xf32, #tpu.memory_space<hbm>>) dst(%dma_wait3A_214 : memref<128x32xf32, #tpu.memory_space<vmem>>)
    %dma_wait3A_221 = arith.constant 3 : i32
    %dma_wait3A_222 = arith.constant 384 : i32
    %dma_wait3A_223 = arith.constant 0 : i32
    %dma_wait3A_224 = tpu.memref_slice %arg12[%dma_wait3A_222, %dma_wait3A_223] : memref<512x32xf32, #tpu.memory_space<vmem>> -> memref<128x32xf32, #tpu.memory_space<vmem>>
    %dma_wait3A_225 = arith.constant 0 : i32
    %dma_wait3A_226 = tpu.memref_slice %arg9[%dma_wait3A_221, %dma_wait3A_225] : memref<4x128xi32, #tpu.memory_space<vmem>> -> memref<1x128xi32, #tpu.memory_space<vmem>>
    %dma_wait3A_227 = tpu.memref_squeeze %dma_wait3A_226 : memref<1x128xi32, #tpu.memory_space<vmem>> -> memref<128xi32, #tpu.memory_space<vmem>>
    %dma_wait3A_228 = arith.constant 0 : i32
    %dma_wait3A_229 = arith.constant 0 : i32
    %dma_wait3A_230 = tpu.memref_slice %arg5[%dma_wait3A_228, %dma_wait3A_229] : memref<1000000x32xf32, #tpu.memory_space<hbm>> -> memref<1000000x32xf32, #tpu.memory_space<hbm>>
    tpu.wait_indirect_dma semaphore(%arg15 : memref<!tpu.dma_semaphore, #tpu.memory_space<semaphore_mem>>) src(%dma_wait3A_230 : memref<1000000x32xf32, #tpu.memory_space<hbm>>) dst(%dma_wait3A_224 : memref<128x32xf32, #tpu.memory_space<vmem>>)
    %dma_wait3A_231 = arith.constant 3 : i32
    %dma_wait3A_232 = arith.constant 384 : i32
    %dma_wait3A_233 = arith.constant 0 : i32
    %dma_wait3A_234 = tpu.memref_slice %arg13[%dma_wait3A_232, %dma_wait3A_233] : memref<512x32xf32, #tpu.memory_space<vmem>> -> memref<128x32xf32, #tpu.memory_space<vmem>>
    %dma_wait3A_235 = arith.constant 0 : i32
    %dma_wait3A_236 = tpu.memref_slice %arg10[%dma_wait3A_231, %dma_wait3A_235] : memref<4x128xi32, #tpu.memory_space<vmem>> -> memref<1x128xi32, #tpu.memory_space<vmem>>
    %dma_wait3A_237 = tpu.memref_squeeze %dma_wait3A_236 : memref<1x128xi32, #tpu.memory_space<vmem>> -> memref<128xi32, #tpu.memory_space<vmem>>
    %dma_wait3A_238 = arith.constant 0 : i32
    %dma_wait3A_239 = arith.constant 0 : i32
    %dma_wait3A_240 = tpu.memref_slice %arg6[%dma_wait3A_238, %dma_wait3A_239] : memref<100x32xf32, #tpu.memory_space<hbm>> -> memref<100x32xf32, #tpu.memory_space<hbm>>
    tpu.wait_indirect_dma semaphore(%arg15 : memref<!tpu.dma_semaphore, #tpu.memory_space<semaphore_mem>>) src(%dma_wait3A_240 : memref<100x32xf32, #tpu.memory_space<hbm>>) dst(%dma_wait3A_234 : memref<128x32xf32, #tpu.memory_space<vmem>>)
    %broadcast_in_dim3A = arith.constant 0.000000e+00 : f32
    %broadcast_in_dim3A_241 = vector.broadcast %broadcast_in_dim3A : f32 to vector<16xf32>
    %scan3A = arith.constant 0 : i32
    %scan3A_242 = arith.constant 512 : i32
    %scan3A_243 = arith.addi %scan3A, %scan3A_242 : i32
    %scan3A_244 = arith.constant 1 : i32
    %scan3A_245:2 = scf.for %scan3A_251 = %scan3A to %scan3A_243 step %scan3A_244 iter_args(%scan3A_252 = %broadcast_in_dim3A_241, %scan3A_253 = %broadcast_in_dim3A_241) -> (vector<16xf32>, vector<16xf32>)  : i32 {
      %get3A = arith.index_cast %scan3A_251 : i32 to index
      %get3A_254 = arith.constant 0 : index
      %get3A_255 = tpu.vector_load %arg11[%get3A, %get3A_254] {strides = array<i32>} : memref<512x32xf32, #tpu.memory_space<vmem>>, vector<1x16xf32>,
      %get3A_256 = vector.shape_cast %get3A_255 : vector<1x16xf32> to vector<16xf32>
      %get3A_257 = arith.index_cast %scan3A_251 : i32 to index
      %get3A_258 = arith.constant 0 : index
      %get3A_259 = tpu.vector_load %arg13[%get3A_257, %get3A_258] {strides = array<i32>} : memref<512x32xf32, #tpu.memory_space<vmem>>, vector<1x16xf32>,
      %get3A_260 = vector.shape_cast %get3A_259 : vector<1x16xf32> to vector<16xf32>
      %add3A_261 = arith.addf %get3A_256, %get3A_260 : vector<16xf32>
      %get3A_262 = arith.index_cast %scan3A_251 : i32 to index
      %get3A_263 = arith.constant 0 : index
      %get3A_264 = tpu.vector_load %arg12[%get3A_262, %get3A_263] {strides = array<i32>} : memref<512x32xf32, #tpu.memory_space<vmem>>, vector<1x16xf32>,
      %get3A_265 = vector.shape_cast %get3A_264 : vector<1x16xf32> to vector<16xf32>
      %sub3A = arith.subf %add3A_261, %get3A_265 : vector<16xf32>
      %get3A_266 = arith.index_cast %scan3A_251 : i32 to index
      %get3A_267 = arith.constant 16 : index
      %get3A_268 = tpu.vector_load %arg11[%get3A_266, %get3A_267] {strides = array<i32>} : memref<512x32xf32, #tpu.memory_space<vmem>>, vector<1x16xf32>,
      %get3A_269 = vector.shape_cast %get3A_268 : vector<1x16xf32> to vector<16xf32>
      %get3A_270 = arith.index_cast %scan3A_251 : i32 to index
      %get3A_271 = arith.constant 16 : index
      %get3A_272 = tpu.vector_load %arg13[%get3A_270, %get3A_271] {strides = array<i32>} : memref<512x32xf32, #tpu.memory_space<vmem>>, vector<1x16xf32>,
      %get3A_273 = vector.shape_cast %get3A_272 : vector<1x16xf32> to vector<16xf32>
      %add3A_274 = arith.addf %get3A_269, %get3A_273 : vector<16xf32>
      %get3A_275 = arith.index_cast %scan3A_251 : i32 to index
      %get3A_276 = arith.constant 16 : index
      %get3A_277 = tpu.vector_load %arg12[%get3A_275, %get3A_276] {strides = array<i32>} : memref<512x32xf32, #tpu.memory_space<vmem>>, vector<1x16xf32>,
      %get3A_278 = vector.shape_cast %get3A_277 : vector<1x16xf32> to vector<16xf32>
      %sub3A_279 = arith.subf %add3A_274, %get3A_278 : vector<16xf32>
      %mul3A_280 = arith.mulf %sub3A, %sub3A : vector<16xf32>
      %add3A_281 = arith.addf %scan3A_252, %mul3A_280 : vector<16xf32>
      %mul3A_282 = arith.mulf %sub3A_279, %sub3A_279 : vector<16xf32>
      %add3A_283 = arith.addf %scan3A_253, %mul3A_282 : vector<16xf32>
      scf.yield %add3A_281, %add3A_283 : vector<16xf32>, vector<16xf32>
    }
    %scan3A_246 = arith.constant 512 : i32
    %add3A_247 = arith.addf %scan3A_245#0, %scan3A_245#1 : vector<16xf32>
    %swap3A = arith.constant 0 : index
    %swap3A_248 = tpu.vector_load %arg14[%swap3A] {strides = array<i32>} : memref<16xf32, #tpu.memory_space<vmem>>, vector<16xf32>,
    %swap3A_249 = vector.shape_cast %swap3A_248 : vector<16xf32> to vector<16xf32>
    %swap3A_250 = vector.shape_cast %add3A_247 : vector<16xf32> to vector<16xf32>
    tpu.vector_store %arg14[%swap3A], %swap3A_250 {strides = array<i32>} : memref<16xf32, #tpu.memory_space<vmem>>, vector<16xf32>,
    "tpu.region"() ({
      %run_scoped3A = tpu.sem_alloc : memref<!tpu.dma_semaphore, #tpu.memory_space<semaphore_mem>>
      %dma_start3A_251 = arith.constant 0 : i32
      %dma_start3A_252 = tpu.memref_slice %arg7[%add3A, %dma_start3A_251] : memref<32x16xf32, #tpu.memory_space<hbm>> -> memref<1x16xf32, #tpu.memory_space<hbm>>
      %dma_start3A_253 = tpu.memref_squeeze %dma_start3A_252 : memref<1x16xf32, #tpu.memory_space<hbm>> -> memref<16xf32, #tpu.memory_space<hbm>>
      %dma_start3A_254 = arith.constant 0 : i32
      %dma_start3A_255 = tpu.memref_slice %arg7[%add3A, %dma_start3A_254] : memref<32x16xf32, #tpu.memory_space<hbm>> -> memref<1x16xf32, #tpu.memory_space<hbm>>
      %dma_start3A_256 = tpu.memref_squeeze %dma_start3A_255 : memref<1x16xf32, #tpu.memory_space<hbm>> -> memref<16xf32, #tpu.memory_space<hbm>>
      tpu.enqueue_dma source(%arg14 : memref<16xf32, #tpu.memory_space<vmem>>) target(%dma_start3A_256 : memref<16xf32, #tpu.memory_space<hbm>>) target_semaphore(%run_scoped3A : memref<!tpu.dma_semaphore, #tpu.memory_space<semaphore_mem>>)
      %dma_wait3A_257 = arith.constant 0 : i32
      %dma_wait3A_258 = tpu.memref_slice %arg7[%add3A, %dma_wait3A_257] : memref<32x16xf32, #tpu.memory_space<hbm>> -> memref<1x16xf32, #tpu.memory_space<hbm>>
      %dma_wait3A_259 = tpu.memref_squeeze %dma_wait3A_258 : memref<1x16xf32, #tpu.memory_space<hbm>> -> memref<16xf32, #tpu.memory_space<hbm>>
      %dma_wait3A_260 = arith.constant 0 : i32
      %dma_wait3A_261 = tpu.memref_slice %arg7[%add3A, %dma_wait3A_260] : memref<32x16xf32, #tpu.memory_space<hbm>> -> memref<1x16xf32, #tpu.memory_space<hbm>>
      %dma_wait3A_262 = tpu.memref_squeeze %dma_wait3A_261 : memref<1x16xf32, #tpu.memory_space<hbm>> -> memref<16xf32, #tpu.memory_space<hbm>>
      tpu.wait_dma2 semaphore(%run_scoped3A : memref<!tpu.dma_semaphore, #tpu.memory_space<semaphore_mem>>) src(%arg14 : memref<16xf32, #tpu.memory_space<vmem>>) dst(%dma_wait3A_262 : memref<16xf32, #tpu.memory_space<hbm>>)
      tpu.yield
    }) : () -> ()
    return
  }
}

</mosaic_0001>

<sc_bundles>
// kernel: kernel.3.cloned.1.call-start
scs
__scs_entry_jumppad:
0x0: {  	(pc) =	sbr.rel $0x88, $3  }
0x1: {  	(tag) =	ssettag $0x0;
	lr =	simm.s32 $0x1  }
0x2: {  	[smem:$0x3F9D] =	sst lr;
	_ =	strace $0xD0000000  }
0x3: {  	_ = 	snop  }
0x4: {  	_ = 	snop  }
0x5: {  	_ = 	snop  }
0x6: {  	_ = 	snop  }
0x7: {  	_ = 	snop  }
__scs_overlays_trampoline_lowered:
0x8: {  	[smem:$0x3FAC] =	sst s0  }
0x9: {  	[smem:$0x3FAD] =	sst s1  }
0xa: {  	[smem:$0x3FAE] =	sst s2  }
0xb: {  	[smem:$0x3FAF] =	sst s3  }
0xc: {  	[smem:$0x3FB0] =	sst s4  }
0xd: {  	[smem:$0x3FB1] =	sst s5  }
0xe: {  	[smem:$0x3FB2] =	sst s6  }
0xf: {  	[smem:$0x3FB3] =	sst s7  }
0x10: {  	[smem:$0x3FB4] =	sst s8  }
0x11: {  	[smem:$0x3FB5] =	sst s9;
	s0 =	simm.s32 @!p0 $0x0  }
0x12: {  	s1 =	sld [smem:$0x3F9B];
	s0 =	simm.s32 @p0 $0x1  }
0x13: {  	[smem:$0x3FB6] =	sst s0;
	s0 =	simm.s32 @!p1 $0x0  }
0x14: {  	s2 =	sld [smem:$0x3F9A];
	s0 =	simm.s32 @p1 $0x1  }
0x15: {  	[smem:$0x3FB7] =	sst s0;
	s0 =	simm.s32 @!p2 $0x0  }
0x16: {  	s3 =	sld [smem:$0x3FDB];
	s0 =	simm.s32 @p2 $0x1  }
0x17: {  	s4 =	simm.s32 $0x1BF5;
	[smem:$0x3FB9] =	sst s0  }
0x18: {  	s0 =	sld [smem:$0x3F9C];
	_ =	swait.ge [sflag:s4], $0x0  }
0x19: {  	s7 =	sld [smem:$0x3F9D]  }
0x1a: {  	s8 =	sadd.s32 $0xFFFFE003, lr  }
0x1b: {  	s9 =	sadd.s32 $0xFFFFFEF7, lr;
	s5 =	simm.s32 $0xFFFFFFFF;
	p2 =	slt.u32 s8, $0xFFFFF086  }
0x1c: {  	p1 =	slt.u32 s9, $0xF7A;
	s5 =	simm.s32 @!p2 $0x0  }
0x1d: {  	s5 =	simm.s32 @p1 $0x1;
	p0 =	seq.s32 s7, s2  }
0x1e: {  	s7 =	smul.u32 @!p0 $0xF7A, s2;
	p2 =	seq.s32 @!p0 s5, $0x0  }
0x1f: {  	s9 =	smul.u32 $0xF7A, s1;
	s8 =	simm.s32 @!p0 $0x1BF5;
	p2 =	por !p2, p0  }
0x20: {  	[sflag:s8] =	ssyncset.s32 @!p0 $0xFFFFF086;
	s6 =	sadd.s32 @!p0 s3, s7;
	s7 =	simm.s32 @!p0 $0x108  }
0x21: {  	s3 =	sadd.s32 s3, s9;
	s6 =	sadd.s32 @!p0 $0x88, s6;
	s7 =	simm.s32 @p2 $0x1082  }
0x22: {  	[simem:s7], [sflag:s8] =	dma.local @!p0 [hbm:s6], $0xF7A  }
0x23: {  	s9 =	sor.u32 $0xD0000000, s2;
	s6 =	simm.s32 $0x108;
	_ =	swait.ge @!p0 [sflag:s8], $0x0  }
0x24: {  	s3 =	sadd.s32 $0x88, s3;
	s6 =	simm.s32 @!p1 $0x1082;
	[sflag:s4] =	ssyncset.s32 $0xFFFFF086  }
0x25: {  	[simem:s6], [sflag:s4] =	dma.local [hbm:s3], $0xF7A  }
0x26: {  	[smem:$0x3F9D] =	sst s1;
	(tag) =	ssettag s2;
	_ =	strace s9  }
0x27: {  	s1 =	sld [smem:$0x3FAD]  }
0x28: {  	s2 =	sld [smem:$0x3FAE]  }
0x29: {  	s4 =	sld [smem:$0x3FB0]  }
0x2a: {  	p0 =	seq.s32 s5, $0x0;
	s5 =	sld [smem:$0x3FB1]  }
0x2b: {  	s6 =	sld [smem:$0x3FB2]  }
0x2c: {  	s7 =	sld [smem:$0x3FB3]  }
0x2d: {  	s3 =	simm.s32 $0x108;
	s8 =	sld [smem:$0x3FB4]  }
0x2e: {  	s3 =	simm.s32 @!p0 $0x1082;
	s9 =	sld [smem:$0x3FB5]  }
0x2f: {  	lr =	sadd.s32 s0, s3;
	s0 =	sld [smem:$0x3FAC]  }
0x30: {  	s3 =	sld [smem:$0x3FAF]  }
0x31: {  	[smem:$0x3FB8] =	sst s10  }
0x32: {  	s10 =	sld [smem:$0x3FB6];
	_ =	sdelay $0x3  }
0x33: {  	p0 =	seq.s32 s10, $0x1;
	s10 =	sld [smem:$0x3FB8];
	_ =	sdelay $0x3  }
0x34: {  	[smem:$0x3FB8] =	sst s10  }
0x35: {  	s10 =	sld [smem:$0x3FB7];
	_ =	sdelay $0x3  }
0x36: {  	p1 =	seq.s32 s10, $0x1;
	s10 =	sld [smem:$0x3FB8];
	_ =	sdelay $0x3  }
0x37: {  	[smem:$0x3FB8] =	sst s10  }
0x38: {  	s10 =	sld [smem:$0x3FB9]  }
0x39: {  	_ = 	snop;
	(pc) =	sbr.ind lr, $3  }
0x3a: {  	_ = 	snop  }
0x3b: {  	_ = 	snop  }
0x3c: {  	p2 =	seq.s32 s10, $0x1;
	s10 =	sld [smem:$0x3FB8]  }
0x3d: {  	_ =	shalt  }
0x3e: {  	_ =	shalt  }
0x3f: {  	_ =	shalt  }
0x40: {  	_ =	shalt  }
0x41: {  	_ =	shalt  }
0x42: {  	_ =	shalt  }
0x43: {  	_ =	shalt  }
0x44: {  	_ =	shalt  }
0x45: {  	_ =	shalt  }
0x46: {  	_ =	shalt  }
0x47: {  	_ =	shalt  }
0x48: {  	_ =	shalt  }
0x49: {  	_ =	shalt  }
0x4a: {  	_ =	shalt  }
0x4b: {  	_ =	shalt  }
0x4c: {  	_ =	shalt  }
0x4d: {  	_ =	shalt  }
0x4e: {  	_ =	shalt  }
0x4f: {  	_ =	shalt  }
0x50: {  	_ =	shalt  }
0x51: {  	_ =	shalt  }
0x52: {  	_ =	shalt  }
0x53: {  	_ =	shalt  }
0x54: {  	_ =	shalt  }
0x55: {  	_ =	shalt  }
0x56: {  	_ =	shalt  }
0x57: {  	_ =	shalt  }
0x58: {  	_ =	shalt  }
0x59: {  	_ =	shalt  }
0x5a: {  	_ =	shalt  }
0x5b: {  	_ =	shalt  }
0x5c: {  	_ =	shalt  }
0x5d: {  	_ =	shalt  }
0x5e: {  	_ =	shalt  }
0x5f: {  	_ =	shalt  }
0x60: {  	_ =	shalt  }
0x61: {  	_ =	shalt  }
0x62: {  	_ =	shalt  }
0x63: {  	_ =	shalt  }
0x64: {  	_ =	shalt  }
0x65: {  	_ =	shalt  }
0x66: {  	_ =	shalt  }
0x67: {  	_ =	shalt  }
0x68: {  	_ =	shalt  }
0x69: {  	_ =	shalt  }
0x6a: {  	_ =	shalt  }
0x6b: {  	_ =	shalt  }
0x6c: {  	_ =	shalt  }
0x6d: {  	_ =	shalt  }
0x6e: {  	_ =	shalt  }
0x6f: {  	_ =	shalt  }
0x70: {  	_ =	shalt  }
0x71: {  	_ =	shalt  }
0x72: {  	_ =	shalt  }
0x73: {  	_ =	shalt  }
0x74: {  	_ =	shalt  }
0x75: {  	_ =	shalt  }
0x76: {  	_ =	shalt  }
0x77: {  	_ =	shalt  }
0x78: {  	_ =	shalt  }
0x79: {  	_ =	shalt  }
0x7a: {  	_ =	shalt  }
0x7b: {  	_ =	shalt  }
0x7c: {  	_ =	shalt  }
0x7d: {  	_ =	shalt  }
0x7e: {  	_ =	shalt  }
0x7f: {  	_ =	shalt  }
0x80: {  	_ =	shalt  }
0x81: {  	_ =	shalt  }
0x82: {  	_ =	shalt  }
0x83: {  	_ =	shalt  }
0x84: {  	_ =	shalt  }
0x85: {  	_ =	shalt  }
0x86: {  	_ =	shalt  }
0x87: {  	_ =	shalt  }
.Lfunc_end0:
.L_simem_size_0:
called_computation_lowered:
.L_overlay_start_0:
0x88: {  	s2 =	sld [smem:$0x3FD9]  }
0x89: {  	s3 =	sld [smem:$0x3FFE];
	_ =	sdelay $0x1  }
0x8a: {  	s1 =	srdreg.scid  }
0x8b: {  	s0 =	sand.u32 $0x1, s1  }
0x8c: {  	s16 =	sshll.u32 s0, $0xA;
	s2 =	sadd.s32 s3, s2  }
0x8d: {  	s2 =	sadd.s32 s2, s16  }
0x8e: {  	[smem:$0x3FC4] =	sst s2  }
0x8f: {  	_ = 	snop  }
0x90: {  	(tm) =	ssettm $0x1  }
0x91: {  	s17 =	sld [smem:$0x3FFB];
	_ =	sdelay $0x3  }
0x92: {  	_ =	strace s17  }
0x93: {  	s2 =	sld [smem:$0x3FFC];
	_ =	sdelay $0x3  }
0x94: {  	_ =	strace s2  }
0x95: {  	s2 =	sld [smem:$0x3FFD];
	_ =	sdelay $0x3  }
0x96: {  	_ =	strace s2  }
0x97: {  	_ =	strace $0x8FFFFFFF  }
0x98: {  	s18 =	sld [smem:$0x3FDB];
	_ =	sdelay $0x1  }
0x99: {  	s19 =	simm.s32 $_scs_section_size  }
0x9a: {  	s4 =	simm.s32 $_size__tile_overlayer_lowered;
	s5 =	simm.s32 $_tile_overlayer_lowered  }
0x9b: {  	s22 =	simm.s32 $0x1BFF;
	s21 =	sshll.u32 s5, $0x1;
	s2 =	sadd.s32 s19, s18  }
0x9c: {  	s6 =	simm.s32 $0x0;
	s20 =	sshll.u32 s4, $0x1;
	s4 =	sadd.s32 s21, s2  }
0x9d: {  	[timem:s6], [sflag:s22] =	dma.local [hbm:s4], s20  }
0x9e: {  	_ =	swait.ge [sflag:s22], s20  }
0x9f: {  	s3 =	ssub.s32 $0x0, s20;
	[sflag:s22] =	ssyncset.done $0x0  }
0xa0: {  	[sflag:s22] =	ssyncadd.s32 s3;
	_ =	sdelay $0x1  }
0xa1: {  	s23 =	simm.s32 $0x1B8B  }
0xa2: {  	_ =	swait.ge [sflag:s23], $0x1  }
0xa3: {  	[sflag:s23] =	ssyncset.done $0x0  }
0xa4: {  	s25 =	simm.s32 $0x1B8E;
	s24 =	sld [smem:$0x3FFE];
	[sflag:s23] =	ssyncadd.s32 $0xFFFFFFFF  }
0xa5: {  	s26 =	simm.s32 $execute0_lowered;
	[smem:$0x3FD2] =	sst s25  }
0xa6: {  	s4 =	sshll.u32 s26, $0x1;
	_ =	strace $0x80000046;
	[dreg:$0x1] =	wrdreg $0xFFFFFFFF  }
0xa7: {  	s28 =	simm.s32 $_size_execute0_lowered;
	s2 =	sadd.s32 s2, s4;
	[dreg:$0x0] =	wrdreg $0x0  }
0xa8: {  	s4 =	sshll.u32 s28, $0x1;
	[dreg:$0x2] =	wrdreg s2  }
0xa9: {  	[dreg:$0x3] =	wrdreg s4  }
0xaa: {  	[dreg:$0x4] =	wrdreg $0xC0  }
0xab: {  	_ =	task [dreg:s6], $0x5FFFF  }
0xac: {  	[dreg:$0x1] =	wrdreg $0xFFFFFFFF  }
0xad: {  	[dreg:$0x0] =	wrdreg $0x60  }
0xae: {  	[dreg:$0x2] =	wrdreg s24  }
0xaf: {  	[dreg:$0x3] =	wrdreg $0x9  }
0xb0: {  	_ =	task.clear_ibuf [dreg:s6], $0x4FFFF;
	_ =	strace $0x90000046  }
0xb1: {  	s29 =	simm.s32 $0x9;
	_ =	strace $0x80000048  }
0xb2: {  	_ =	swait.ge [sflag:s29], $0x1  }
0xb3: {  	[sflag:s29] =	ssyncadd.s32 $0xFFFFFFFF  }
0xb4: {  	_ =	strace $0x90000048  }
0xb5: {  	_ =	sfence  }
0xb6: {  	s30 =	sld [smem:$0x0];
	_ =	sdelay $0x2  }
0xb7: {  	s31 =	sshll.u32 s1, $0xD;
	s1 =	sshrl.u32 s1, $0x2  }
0xb8: {  	s3 =	sand.u32 $0x4000, s31;
	s1 =	sadd.s32 s1, s30  }
0xb9: {  	s0 =	sor.u32 s3, s0;
	s1 =	sshll.u32 s1, $0x11  }
0xba: {  	s0 =	sor.u32 s1, s0  }
0xbb: {  	s0 =	sadd.s32 $0x8F2B, s0  }
0xbc: {  	[sflag:s0] =	ssyncadd.remote.s32 $0x1  }
0xbd: {  	_ =	sfence.sel $0xFFFF  }
0xbe: {  	[dreg:$0x0] =	wrdreg $0xFFFFFFFF;
	(pc) =	sbr.abs _section_cstart, $3  }
0xbf: {  	[dreg:$0x1] =	wrdreg $0xFFFFFFFF  }
0xc0: {  	_ =	task.clear_ibuf [dreg:s6], $0x2FFFF;
	_ =	strace $0x9FFFFFFF  }
0xc1: {  	(tm) =	ssettm $0x7FFFFFFF  }
tec
execute0_lowered:
.L_overlay_start_1:
0x0: {  	(tag) =	ssettag $0x1  }
0x1: {  	s0 =	srdreg.scid;
	s2 =	stileid.u32  }
0x2: {  	s1 =	rddreg [dreg:$0x0];
	s10 =	simm.s32 $0x2;
	s11 =	simm.s32 $0x200  }
0x3: {  	s12 =	simm.s32 $0x400;
	s13 =	simm.s32 $0x80;
	s20 =	simm.s32 $0x480  }
0x4: {  	s21 =	simm.s32 $0x9600;
	s22 =	simm.s32 $0x100;
	s23 =	simm.s32 $0x2600  }
0x5: {  	s24 =	simm.s32 $0x300;
	s25 =	simm.s32 $0x6600;
	s28 =	simm.s32 $0xA600  }
0x6: {  	s29 =	simm.s32 $0x180;
	s30 =	simm.s32 $0x3600;
	s31 =	simm.s32 $0x380  }
0x7: {  	s14 =	simm.s32 $0xB600;
	s15 =	simm.s32 $0x1;
	s16 =	simm.s32 $0xC600  }
0x8: {  	s0 =	sand.u32 $0x1, s0;
	s3 =	sshll.u32 s2, $0x1;
	s2 =	simm.s32 $0x0  }
0x9: {  	s17 =	simm.s32 $0x0;
	s4 =	sor.u32 s0, s3;
	[smem:$0x7FF] =	sst s2  }
0xa: {  	s0 =	ssub.s32 $0x2, s0;
	s3 =	sshll.u32 s4, $0x6;
	_ =	strace $0x80000047  }
0xb: {  	s5 =	sshll.u32 s4, $0x1;
	s4 =	sadd.s32 $0x1600, s1;
	s26 =	sshrl.u32 s0, $0x1  }
0xc: {  	s7 =	sadd.s32 s3, s1;
	s3 =	sadd.s32 $0xF43A00, s1;
	s1 =	sadd.s32 s5, s1  }
0xd: {  	s0 =	ssub.s32 s0, s26;
	s26 =	simm.s32 $0x500;
	s5 =	sadd.s32 $0xE00, s7  }
0xe: {  	s6 =	sadd.s32 $0x600, s7;
	s7 =	sadd.s32 $0x1800, s7;
	s8 =	sadd.s32 $0x2000, s1  }
0xf: {  	s9 =	smax.u32 s0, $0x1;
	s1 =	simm.s32 $0x7600;
	s0 =	simm.s32 $0x580  }
.LBB2_1:
0x10: {  	[tilespmem:s2], [sflag:$0x2] =	stream.linear.gather [hbm4b:s5+s2], $0x200, $0x38;
	[tilespmem:$0xC610] =	vst v63  }
0x11: {  	_ =	swait.ge [sflag:s10], $0x200  }
0x12: {  	[sflag:s10] =	ssyncset.done $0x0  }
0x13: {  	[sflag:s10] =	ssyncadd.s32 $0xFFFFFE00  }
0x14: {  	[tilespmem:s11], [sflag:$0x2] =	stream.linear.gather [hbm4b:s6+s2], $0x200, $0x38;
	[tilespmem:$0xC610] =	vst v63  }
0x15: {  	_ =	swait.ge [sflag:s10], $0x200  }
0x16: {  	[sflag:s10] =	ssyncset.done $0x0  }
0x17: {  	[sflag:s10] =	ssyncadd.s32 $0xFFFFFE00  }
0x18: {  	[tilespmem:s12], [sflag:$0x2] =	stream.linear.gather [hbm4b:s7+s2], $0x200, $0x38;
	[tilespmem:$0xC610] =	vst v63  }
0x19: {  	_ =	swait.ge [sflag:s10], $0x200  }
0x1a: {  	[sflag:s10] =	ssyncset.done $0x0  }
0x1b: {  	s18 =	simm.s32 $0x600;
	[sflag:s10] =	ssyncadd.s32 $0xFFFFFE00  }
0x1c: {  	[tilespmem:s18], [sflag:$0x1] =	stream.indirect.gather [hbm4b:s3+s13], $0x20, s2, s13, $0xb8;
	[tilespmem:$0xC610] =	vst v63  }
0x1d: {  	s19 =	simm.s32 $0x4600  }
0x1e: {  	[tilespmem:s19], [sflag:$0x1] =	stream.indirect.gather [hbm4b:s3+s13], $0x20, s11, s13, $0xb8;
	[tilespmem:$0xC610] =	vst v63  }
0x1f: {  	s19 =	simm.s32 $0x8600  }
0x20: {  	[tilespmem:s19], [sflag:$0x1] =	stream.indirect.gather [hbm4b:s4+s13], $0x20, s12, s13, $0xb8;
	[tilespmem:$0xC610] =	vst v63  }
0x21: {  	s19 =	simm.s32 $0x1600  }
0x22: {  	[tilespmem:s19], [sflag:$0x1] =	stream.indirect.gather [hbm4b:s3+s13], $0x20, s13, s13, $0xb8;
	[tilespmem:$0xC610] =	vst v63  }
0x23: {  	s18 =	simm.s32 $0x280;
	s19 =	simm.s32 $0x5600  }
0x24: {  	[tilespmem:s19], [sflag:$0x1] =	stream.indirect.gather [hbm4b:s3+s13], $0x20, s18, s13, $0xb8;
	[tilespmem:$0xC610] =	vst v63  }
0x25: {  	_ = 	snop  }
0x26: {  	[tilespmem:s21], [sflag:$0x1] =	stream.indirect.gather [hbm4b:s4+s13], $0x20, s20, s13, $0xb8;
	[tilespmem:$0xC610] =	vst v63  }
0x27: {  	_ = 	snop  }
0x28: {  	[tilespmem:s23], [sflag:$0x1] =	stream.indirect.gather [hbm4b:s3+s13], $0x20, s22, s13, $0xb8;
	[tilespmem:$0xC610] =	vst v63  }
0x29: {  	_ = 	snop  }
0x2a: {  	[tilespmem:s25], [sflag:$0x1] =	stream.indirect.gather [hbm4b:s3+s13], $0x20, s24, s13, $0xb8;
	[tilespmem:$0xC610] =	vst v63  }
0x2b: {  	_ = 	snop  }
0x2c: {  	[tilespmem:s28], [sflag:$0x1] =	stream.indirect.gather [hbm4b:s4+s13], $0x20, s26, s13, $0xb8;
	[tilespmem:$0xC610] =	vst v63  }
0x2d: {  	_ = 	snop  }
0x2e: {  	[tilespmem:s30], [sflag:$0x1] =	stream.indirect.gather [hbm4b:s3+s13], $0x20, s29, s13, $0xb8;
	[tilespmem:$0xC610] =	vst v63  }
0x2f: {  	_ = 	snop  }
0x30: {  	[tilespmem:s1], [sflag:$0x1] =	stream.indirect.gather [hbm4b:s3+s13], $0x20, s31, s13, $0xb8;
	[tilespmem:$0xC610] =	vst v63  }
0x31: {  	_ = 	snop  }
0x32: {  	[tilespmem:s14], [sflag:$0x1] =	stream.indirect.gather [hbm4b:s4+s13], $0x20, s0, s13, $0xb8;
	[tilespmem:$0xC610] =	vst v63  }
0x33: {  	_ =	swait.ge [sflag:s15], $0x1000  }
0x34: {  	[sflag:s15] =	ssyncset.done $0x0  }
0x35: {  	[sflag:s15] =	ssyncadd.s32 $0xFFFFF000  }
0x36: {  	_ =	swait.ge [sflag:s15], $0x1000  }
0x37: {  	[sflag:s15] =	ssyncset.done $0x0  }
0x38: {  	[sflag:s15] =	ssyncadd.s32 $0xFFFFF000  }
0x39: {  	_ =	swait.ge [sflag:s15], $0x1000  }
0x3a: {  	[sflag:s15] =	ssyncset.done $0x0  }
0x3b: {  	[sflag:s15] =	ssyncadd.s32 $0xFFFFF000  }
0x3c: {  	_ =	swait.ge [sflag:s15], $0x1000  }
0x3d: {  	[sflag:s15] =	ssyncset.done $0x0  }
0x3e: {  	[sflag:s15] =	ssyncadd.s32 $0xFFFFF000  }
0x3f: {  	_ =	swait.ge [sflag:s15], $0x1000  }
0x40: {  	[sflag:s15] =	ssyncset.done $0x0  }
0x41: {  	[sflag:s15] =	ssyncadd.s32 $0xFFFFF000  }
0x42: {  	_ =	swait.ge [sflag:s15], $0x1000  }
0x43: {  	[sflag:s15] =	ssyncset.done $0x0  }
0x44: {  	[sflag:s15] =	ssyncadd.s32 $0xFFFFF000  }
0x45: {  	_ =	swait.ge [sflag:s15], $0x1000  }
0x46: {  	[sflag:s15] =	ssyncset.done $0x0  }
0x47: {  	[sflag:s15] =	ssyncadd.s32 $0xFFFFF000  }
0x48: {  	_ =	swait.ge [sflag:s15], $0x1000  }
0x49: {  	[sflag:s15] =	ssyncset.done $0x0  }
0x4a: {  	[sflag:s15] =	ssyncadd.s32 $0xFFFFF000  }
0x4b: {  	_ =	swait.ge [sflag:s15], $0x1000  }
0x4c: {  	[sflag:s15] =	ssyncset.done $0x0  }
0x4d: {  	[sflag:s15] =	ssyncadd.s32 $0xFFFFF000  }
0x4e: {  	_ =	swait.ge [sflag:s15], $0x1000  }
0x4f: {  	[sflag:s15] =	ssyncset.done $0x0  }
0x50: {  	[sflag:s15] =	ssyncadd.s32 $0xFFFFF000  }
0x51: {  	_ =	swait.ge [sflag:s15], $0x1000  }
0x52: {  	[sflag:s15] =	ssyncset.done $0x0  }
0x53: {  	[sflag:s15] =	ssyncadd.s32 $0xFFFFF000  }
0x54: {  	_ =	swait.ge [sflag:s15], $0x1000  }
0x55: {  	[sflag:s15] =	ssyncset.done $0x0  }
0x56: {  	s19 =	simm.s32 $0x0;
	[sflag:s15] =	ssyncadd.s32 $0xFFFFF000  }
0x57: {  	v0 =	vld [tilespmem:s19+$0x610]  }
0x58: {  	v3 =	vld [tilespmem:s19+$0x8610]  }
0x59: {  	v5 =	vld [tilespmem:s19+$0x600]  }
0x5a: {  	v4 =	vld [tilespmem:s19+$0x4610]  }
0x5b: {  	v7 =	vld [tilespmem:s19+$0x8600]  }
0x5c: {  	s18 =	simm.s32 $0x20;
	v1 =	vld [tilespmem:s19+$0x4600]  }
0x5d: {  	v2 =	vld [tilespmem:s18+$0x610];
	v0 =	vadd.f32 v3, v0  }
0x5e: {  	v6 =	vld [tilespmem:s18+$0x8610]  }
0x5f: {  	v3 =	vld [tilespmem:s18+$0x600];
	v8 =	vsub.f32 v0, v4  }
0x60: {  	v9 =	vadd.f32 v7, v5;
	v4 =	vld [tilespmem:s18+$0x4610]  }
0x61: {  	s19 =	simm.s32 $0x100;
	v7 =	vld [tilespmem:s18+$0x8600];
	v5 =	vimm.f32 $0.0e+00;
	v0 =	vimm.f32 $0.0e+00;
	v8 =	vmul.f32 v8, v8  }
.LBB2_2:
0x62: {  	v11 =	vsub.f32 v9, v1;
	v1 =	vld [tilespmem:s18+$0x4600];
	s18 =	sshra.s32 s19, $0x2;
	p0 =	sne.s32 s19, $0xFF80  }
.Ltmp0:
0x63: {  	s19 =	sadd.s32 $0x80, s19;
	v10 =	vadd.f32 v6, v2;
	v2 =	vld [tilespmem:s18+$0x610];
	v0 =	vadd.f32 v8, v0;
	(pc) =	sbr.rel @p0 .LBB2_2-.Ltmp0, $4  }
0x64: {  	v6 =	vld [tilespmem:s18+$0x8610];
	v8 =	vmul.f32 v11, v11;
	v9 =	vmov v3  }
0x65: {  	v3 =	vld [tilespmem:s18+$0x600];
	v10 =	vsub.f32 v10, v4  }
0x66: {  	v4 =	vld [tilespmem:s18+$0x4610];
	v9 =	vadd.f32 v7, v9;
	v5 =	vadd.f32 v8, v5  }
0x67: {  	v7 =	vld [tilespmem:s18+$0x8600];
	v8 =	vmul.f32 v10, v10  }
0x68: {  	_ = 	snop  }
0x69: {  	v10 =	vld [tilespmem:s18+$0x4600];
	_ =	sdelay $0x1  }
0x6a: {  	v1 =	vsub.f32 v9, v1  }
0x6b: {  	v2 =	vadd.f32 v6, v2;
	v3 =	vadd.f32 v7, v3;
	_ =	sdelay $0x1  }
0x6c: {  	v1 =	vmul.f32 v1, v1;
	v2 =	vsub.f32 v2, v4;
	v3 =	vsub.f32 v3, v10  }
0x6d: {  	v0 =	vadd.f32 v8, v0  }
0x6e: {  	v1 =	vadd.f32 v1, v5;
	v2 =	vmul.f32 v2, v2;
	v3 =	vmul.f32 v3, v3;
	_ =	sdelay $0x1  }
0x6f: {  	v0 =	vadd.f32 v2, v0;
	v1 =	vadd.f32 v3, v1;
	_ =	sdelay $0x1  }
0x70: {  	s17 =	sadd.s32 $0x1, s17;
	v0 =	vadd.f32 v0, v1  }
0x71: {  	p0 =	sne.s32 s17, s9  }
.Ltmp1:
0x72: {  	[tilespmem:$0xC600] =	vst v0;
	(pc) =	sbr.rel @p0 .LBB2_1-.Ltmp1, $4  }
0x73: {  	[hbm4b:s8+s2] =	stream.linear.scatter [tilespmem:s16], [sflag:$0x2], $0x10, $0x38;
	[tilespmem:$0xC610] =	vst v63  }
0x74: {  	_ =	swait.ge [sflag:s10], $0x10  }
0x75: {  	[sflag:s10] =	ssyncset.done $0x0  }
0x76: {  	[sflag:s10] =	ssyncadd.s32 $0xFFFFFFF0  }
0x77: {  	_ =	sfence.sel $0x180000  }
0x78: {  	[bflag:$0x0] =	sbarrier.arrive $0xFFFF  }
0x79: {  	_ =	strace $0x90000047  }
0x7a: {  	s0 =	stileid.u32;
	[bflag:$0x2] =	sbarrier.arrive $0xFFFF  }
0x7b: {  	p0 =	sne.s32 s0, $0x0;
	s0 =	rddreg [dreg:$0x1]  }
0x7c: {  	s0 =	sadd.s32 @!p0 $0x100000, s0  }
0x7d: {  	[sflag:s0] =	ssyncadd.tile.s32 @!p0 $0x1;
	_ =	shalt  }
.Lfunc_end2:
_tile_overlayer_lowered:
.L_overlay_start_2:
0x7e: {  	(tag) =	ssettag $0x2  }
0x7f: {  	s0 =	rddreg [dreg:$0x0];
	s2 =	stileid.u32  }
0x80: {  	s1 =	rddreg [dreg:$0x1];
	p0 =	sne.s32 s2, $0x0  }
0x81: {  	s3 =	rddreg [dreg:$0x2];
	[bflag:$0x3] =	sbarrier.arrive $0xFFFF;
	s2 =	simm.s32 @!p0 $0x1C02  }
0x82: {  	[timem:s3], [sflag:s2] =	dma.local @!p0 [hbm:s0], s1  }
0x83: {  	s0 =	simm.s32 @!p0 $0x2  }
0x84: {  	_ =	swait.ge @!p0 [sflag:s0], s1  }
0x85: {  	s1 =	ssub.s32 @!p0 $0x0, s1;
	[sflag:s0] =	ssyncset.done @!p0 $0x0  }
0x86: {  	[sflag:s0] =	ssyncadd.s32 @!p0 s1  }
0x87: {  	[bflag:$0x3] =	sbarrier.arrive $0xFFFF  }
0x88: {  	_ =	shalt  }

</sc_bundles>
